<compile_context>
chip_gen: v7x
topology: tpu7x:2x2x1
jax: 0.10.2.dev20260603
libtpu: 0.0.44.dev20260713+nightly
codegen_flags: <defaults>
</compile_context>

<pallas_src>
import jax
import jax.numpy as jnp
from jax import lax
from jax.experimental import pallas as pl
from jax.experimental.pallas import tpu as pltpu
from jax.experimental.pallas import tpu_sc as plsc


def kernel(images, features, proposals, gt_bboxes, gt_labels):
    info = plsc.get_sparse_core_info()
    nc, ns = info.num_cores, info.num_subcores
    nw = nc * ns
    x = images.reshape(-1)
    total = x.shape[0]
    per = total // nw
    mesh = plsc.VectorSubcoreMesh(core_axis_name="c", subcore_axis_name="s")

    @pl.kernel(
        mesh=mesh,
        out_type=jax.ShapeDtypeStruct(x.shape, x.dtype),
        scratch_types=[pltpu.VMEM((per,), x.dtype)],
    )
    def _sc_copy(x_hbm, o_hbm, buf):
        wid = lax.axis_index("s") * nc + lax.axis_index("c")
        base = wid * per
        pltpu.sync_copy(x_hbm.at[pl.ds(base, per)], buf)
        pltpu.sync_copy(buf, o_hbm.at[pl.ds(base, per)])

    out = _sc_copy(x)
    return out.reshape(images.shape)

# --- scband reference (transcript-rebuilt; emitter-appended) ---
"""Pipeline reference for scband-roihead-58858231824759 (READ-ONLY COPY).

The authoritative reference and input builder live on the scoring server;
editing this copy changes nothing except your own understanding.
"""

import jax, jax.numpy as jnp
import numpy as np

NUM_CLASSES = 80
IOU_THRESHOLD = 0.5
BATCH_SIZE_PER_IMAGE = 512
POSITIVE_FRACTION = 0.25
NEGATIVE = 0


def setup_inputs(seed: int = 0) -> dict:
    key = jax.random.key(seed)
    k1, k2, k3, k4, k5, k6 = jax.random.split(key, 6)
    N, K, Ti = 2, 20000, 64
    images = jax.random.uniform(k1, (N, 3, 512, 512), dtype=jnp.float32)
    features = jax.random.normal(k2, (N, 256, 64, 64), dtype=jnp.float32)

    def make_boxes(k, n):
        ka, kb = jax.random.split(k)
        xy = jax.random.uniform(ka, (N, n, 2), minval=0.0, maxval=448.0)
        wh = jax.random.uniform(kb, (N, n, 2), minval=8.0, maxval=64.0)
        return jnp.concatenate([xy, xy + wh], axis=-1).astype(jnp.float32)

    prop_boxes = make_boxes(k3, K)
    scores = jax.random.uniform(k4, (N, K, 1), dtype=jnp.float32)
    proposals = jnp.concatenate([prop_boxes, scores], axis=-1)
    gt_bboxes = make_boxes(k5, Ti)
    gt_labels = jax.random.randint(k6, (N, Ti), 0, NUM_CLASSES).astype(jnp.int64)
    return {"images": images, "features": features, "proposals": proposals,
            "gt_bboxes": gt_bboxes, "gt_labels": gt_labels}


def box_iou(boxes1, boxes2):
    area1 = (boxes1[:, 2] - boxes1[:, 0]) * (boxes1[:, 3] - boxes1[:, 1])
    area2 = (boxes2[:, 2] - boxes2[:, 0]) * (boxes2[:, 3] - boxes2[:, 1])
    lt = jnp.maximum(boxes1[:, None, :2], boxes2[None, :, :2])
    rb = jnp.minimum(boxes1[:, None, 2:], boxes2[None, :, 2:])
    wh = jnp.clip(rb - lt, 0.0)
    inter = wh[..., 0] * wh[..., 1]
    union = area1[:, None] + area2[None, :] - inter
    return jnp.where(union > 0, inter / union, 0.0)


def matcher(match_quality_matrix):
    matched_vals = jnp.max(match_quality_matrix, axis=0)
    matched_idxs = jnp.argmax(match_quality_matrix, axis=0)
    matched_labels = (matched_vals >= IOU_THRESHOLD).astype(jnp.int32)
    return matched_idxs, matched_labels


def balanced_sampler(matched_labels, key):
    M = matched_labels.shape[0]
    pos_mask = matched_labels == 1
    neg_mask = matched_labels == NEGATIVE
    max_pos = int(BATCH_SIZE_PER_IMAGE * POSITIVE_FRACTION)
    max_neg = BATCH_SIZE_PER_IMAGE
    num_pos = jnp.minimum(jnp.sum(pos_mask), max_pos)
    num_neg = jnp.minimum(jnp.sum(neg_mask), BATCH_SIZE_PER_IMAGE - num_pos)
    k1, k2 = jax.random.split(key)
    perm_pos = jax.random.permutation(k1, M)
    pos_order = perm_pos[jnp.argsort(jnp.logical_not(pos_mask[perm_pos]))][:max_pos]
    fg_idxs = jnp.where(jnp.arange(max_pos) < num_pos, pos_order, 0)
    perm_neg = jax.random.permutation(k2, M)
    neg_order = perm_neg[jnp.argsort(jnp.logical_not(neg_mask[perm_neg]))][:max_neg]
    bg_idxs = jnp.where(jnp.arange(max_neg) < num_neg, neg_order, 0)
    return fg_idxs, bg_idxs


def label_and_sample_proposals(proposals, gt_bboxes, gt_labels):
    key = jax.random.key(42)
    N = proposals.shape[0]
    proposals_with_gt = []
    for i in range(N):
        proposals_i = proposals[i]
        gt_bboxes_i = gt_bboxes[i]
        gt_labels_i = gt_labels[i]
        has_gt = gt_bboxes_i.shape[0] > 0
        # add_ground_truth_to_proposals: append GT boxes with score 1
        gt_as_prop = jnp.concatenate(
            [gt_bboxes_i, jnp.ones((gt_bboxes_i.shape[0], 1), dtype=gt_bboxes_i.dtype)], axis=1)
        proposals_i = jnp.concatenate([proposals_i, gt_as_prop], axis=0)
        match_quality_matrix = box_iou(gt_bboxes_i, proposals_i[:, :4])
        matched_idxs, matched_labels = matcher(match_quality_matrix)
        # sample_proposals
        if has_gt:
            gl = gt_labels_i[matched_idxs]
            gl = jnp.where(matched_labels == NEGATIVE, NUM_CLASSES, gl)
        else:
            gl = jnp.zeros_like(matched_idxs) + NUM_CLASSES
        key, sk = jax.random.split(key)
        fg_idxs, bg_idxs = balanced_sampler(matched_labels, sk)
        sampled_idxs = jnp.concatenate([fg_idxs, bg_idxs], axis=0)
        proposal_labels_i = gl[sampled_idxs]
        proposals_sel = proposals_i[sampled_idxs]
        if has_gt:
            sampled_gt_idxs = matched_idxs[sampled_idxs]
            proposal_targets = gt_bboxes_i[sampled_gt_idxs]
        else:
            proposal_targets = jnp.zeros((sampled_idxs.shape[0], 4), dtype=gt_bboxes_i.dtype)
        proposals_with_gt.append({"proposals": proposals_sel,
                                  "gt_labels": proposal_labels_i,
                                  "gt_bboxes": proposal_targets})
    return proposals_with_gt


def reference(images, features, proposals, gt_bboxes, gt_labels):
    # Faithful to the torch module: performs label_and_sample_proposals under
    # no_grad (result discarded by forward) and returns images.
    label_and_sample_proposals(proposals, gt_bboxes, gt_labels)
    return images

if __name__ == "__main__":
    import jax
    _d = setup_inputs()
    print(jax.jit(kernel)(*tuple(_d.values())))

</pallas_src>

<mosaic_0001>
#map = affine_map<(d0, d1) -> (0)>
module attributes {stable_mosaic.version = 14 : i64} {
  func.func @_sc_copy(%arg0: i32, %arg1: i32, %arg2: memref<1572864xf32, #tpu.memory_space<hbm>>, %arg3: memref<1572864xf32, #tpu.memory_space<hbm>>, %arg4: memref<49152xf32, #tpu.memory_space<vmem>>) attributes {dimension_semantics = [#tpu.dimension_semantics<core_parallel>, #tpu.dimension_semantics<subcore_parallel>], iteration_bounds = array<i64: 2, 16>, scalar_prefetch = 0 : i64, scratch_operands = 1 : i64, tpu.core_type = #tpu.core_type<sc_vector_subcore>, window_params = [{transform_indices = #map}, {transform_indices = #map}]} {
    %mul3A = arith.constant 2 : i32
    %mul3A_0 = arith.muli %arg1, %mul3A : i32
    %add3A = arith.addi %mul3A_0, %arg0 : i32
    %mul3A_1 = arith.constant 49152 : i32
    %mul3A_2 = arith.muli %add3A, %mul3A_1 : i32
    "tpu.region"() ({
      %run_scoped3A = tpu.sem_alloc : memref<!tpu.dma_semaphore, #tpu.memory_space<semaphore_mem>>
      %dma_start3A = tpu.memref_slice %arg2[%mul3A_2] : memref<1572864xf32, #tpu.memory_space<hbm>> -> memref<49152xf32, #tpu.memory_space<hbm>>
      %dma_start3A_3 = tpu.memref_slice %arg2[%mul3A_2] : memref<1572864xf32, #tpu.memory_space<hbm>> -> memref<49152xf32, #tpu.memory_space<hbm>>
      tpu.enqueue_dma source(%dma_start3A_3 : memref<49152xf32, #tpu.memory_space<hbm>>) target(%arg4 : memref<49152xf32, #tpu.memory_space<vmem>>) target_semaphore(%run_scoped3A : memref<!tpu.dma_semaphore, #tpu.memory_space<semaphore_mem>>)
      %dma_wait3A = tpu.memref_slice %arg2[%mul3A_2] : memref<1572864xf32, #tpu.memory_space<hbm>> -> memref<49152xf32, #tpu.memory_space<hbm>>
      %dma_wait3A_4 = tpu.memref_slice %arg2[%mul3A_2] : memref<1572864xf32, #tpu.memory_space<hbm>> -> memref<49152xf32, #tpu.memory_space<hbm>>
      tpu.wait_dma2 semaphore(%run_scoped3A : memref<!tpu.dma_semaphore, #tpu.memory_space<semaphore_mem>>) src(%dma_wait3A_4 : memref<49152xf32, #tpu.memory_space<hbm>>) dst(%arg4 : memref<49152xf32, #tpu.memory_space<vmem>>)
      tpu.yield
    }) : () -> ()
    "tpu.region"() ({
      %run_scoped3A = tpu.sem_alloc : memref<!tpu.dma_semaphore, #tpu.memory_space<semaphore_mem>>
      %dma_start3A = tpu.memref_slice %arg3[%mul3A_2] : memref<1572864xf32, #tpu.memory_space<hbm>> -> memref<49152xf32, #tpu.memory_space<hbm>>
      %dma_start3A_3 = tpu.memref_slice %arg3[%mul3A_2] : memref<1572864xf32, #tpu.memory_space<hbm>> -> memref<49152xf32, #tpu.memory_space<hbm>>
      tpu.enqueue_dma source(%arg4 : memref<49152xf32, #tpu.memory_space<vmem>>) target(%dma_start3A_3 : memref<49152xf32, #tpu.memory_space<hbm>>) target_semaphore(%run_scoped3A : memref<!tpu.dma_semaphore, #tpu.memory_space<semaphore_mem>>)
      %dma_wait3A = tpu.memref_slice %arg3[%mul3A_2] : memref<1572864xf32, #tpu.memory_space<hbm>> -> memref<49152xf32, #tpu.memory_space<hbm>>
      %dma_wait3A_4 = tpu.memref_slice %arg3[%mul3A_2] : memref<1572864xf32, #tpu.memory_space<hbm>> -> memref<49152xf32, #tpu.memory_space<hbm>>
      tpu.wait_dma2 semaphore(%run_scoped3A : memref<!tpu.dma_semaphore, #tpu.memory_space<semaphore_mem>>) src(%arg4 : memref<49152xf32, #tpu.memory_space<vmem>>) dst(%dma_wait3A_4 : memref<49152xf32, #tpu.memory_space<hbm>>)
      tpu.yield
    }) : () -> ()
    return
  }
}

</mosaic_0001>

<sc_bundles>
// kernel: kernel.3.cloned.1.call-start
scs
__scs_entry_jumppad:
0x0: {  	(pc) =	sbr.rel $0x88, $3  }
0x1: {  	(tag) =	ssettag $0x0;
	lr =	simm.s32 $0x1  }
0x2: {  	[smem:$0x3FA0] =	sst lr;
	_ =	strace $0xD0000000  }
0x3: {  	_ = 	snop  }
0x4: {  	_ = 	snop  }
0x5: {  	_ = 	snop  }
0x6: {  	_ = 	snop  }
0x7: {  	_ = 	snop  }
__scs_overlays_trampoline_lowered:
0x8: {  	[smem:$0x3FAF] =	sst s0  }
0x9: {  	[smem:$0x3FB0] =	sst s1  }
0xa: {  	[smem:$0x3FB1] =	sst s2  }
0xb: {  	[smem:$0x3FB2] =	sst s3  }
0xc: {  	[smem:$0x3FB3] =	sst s4  }
0xd: {  	[smem:$0x3FB4] =	sst s5  }
0xe: {  	[smem:$0x3FB5] =	sst s6  }
0xf: {  	[smem:$0x3FB6] =	sst s7  }
0x10: {  	[smem:$0x3FB7] =	sst s8  }
0x11: {  	[smem:$0x3FB8] =	sst s9;
	s0 =	simm.s32 @!p0 $0x0  }
0x12: {  	s1 =	sld [smem:$0x3F9E];
	s0 =	simm.s32 @p0 $0x1  }
0x13: {  	[smem:$0x3FB9] =	sst s0;
	s0 =	simm.s32 @!p1 $0x0  }
0x14: {  	s2 =	sld [smem:$0x3F9D];
	s0 =	simm.s32 @p1 $0x1  }
0x15: {  	[smem:$0x3FBA] =	sst s0;
	s0 =	simm.s32 @!p2 $0x0  }
0x16: {  	s3 =	sld [smem:$0x3FDB];
	s0 =	simm.s32 @p2 $0x1  }
0x17: {  	s4 =	simm.s32 $0x1BF5;
	[smem:$0x3FBC] =	sst s0  }
0x18: {  	s0 =	sld [smem:$0x3F9F];
	_ =	swait.ge [sflag:s4], $0x0  }
0x19: {  	s7 =	sld [smem:$0x3FA0]  }
0x1a: {  	s8 =	sadd.s32 $0xFFFFE003, lr  }
0x1b: {  	s9 =	sadd.s32 $0xFFFFFEF7, lr;
	s5 =	simm.s32 $0xFFFFFFFF;
	p2 =	slt.u32 s8, $0xFFFFF086  }
0x1c: {  	p1 =	slt.u32 s9, $0xF7A;
	s5 =	simm.s32 @!p2 $0x0  }
0x1d: {  	s5 =	simm.s32 @p1 $0x1;
	p0 =	seq.s32 s7, s2  }
0x1e: {  	s7 =	smul.u32 @!p0 $0xF7A, s2;
	p2 =	seq.s32 @!p0 s5, $0x0  }
0x1f: {  	s9 =	smul.u32 $0xF7A, s1;
	s8 =	simm.s32 @!p0 $0x1BF5;
	p2 =	por !p2, p0  }
0x20: {  	[sflag:s8] =	ssyncset.s32 @!p0 $0xFFFFF086;
	s6 =	sadd.s32 @!p0 s3, s7;
	s7 =	simm.s32 @!p0 $0x108  }
0x21: {  	s3 =	sadd.s32 s3, s9;
	s6 =	sadd.s32 @!p0 $0x88, s6;
	s7 =	simm.s32 @p2 $0x1082  }
0x22: {  	[simem:s7], [sflag:s8] =	dma.local @!p0 [hbm:s6], $0xF7A  }
0x23: {  	s9 =	sor.u32 $0xD0000000, s2;
	s6 =	simm.s32 $0x108;
	_ =	swait.ge @!p0 [sflag:s8], $0x0  }
0x24: {  	s3 =	sadd.s32 $0x88, s3;
	s6 =	simm.s32 @!p1 $0x1082;
	[sflag:s4] =	ssyncset.s32 $0xFFFFF086  }
0x25: {  	[simem:s6], [sflag:s4] =	dma.local [hbm:s3], $0xF7A  }
0x26: {  	[smem:$0x3FA0] =	sst s1;
	(tag) =	ssettag s2;
	_ =	strace s9  }
0x27: {  	s1 =	sld [smem:$0x3FB0]  }
0x28: {  	s2 =	sld [smem:$0x3FB1]  }
0x29: {  	s4 =	sld [smem:$0x3FB3]  }
0x2a: {  	p0 =	seq.s32 s5, $0x0;
	s5 =	sld [smem:$0x3FB4]  }
0x2b: {  	s6 =	sld [smem:$0x3FB5]  }
0x2c: {  	s7 =	sld [smem:$0x3FB6]  }
0x2d: {  	s3 =	simm.s32 $0x108;
	s8 =	sld [smem:$0x3FB7]  }
0x2e: {  	s3 =	simm.s32 @!p0 $0x1082;
	s9 =	sld [smem:$0x3FB8]  }
0x2f: {  	lr =	sadd.s32 s0, s3;
	s0 =	sld [smem:$0x3FAF]  }
0x30: {  	s3 =	sld [smem:$0x3FB2]  }
0x31: {  	[smem:$0x3FBB] =	sst s10  }
0x32: {  	s10 =	sld [smem:$0x3FB9];
	_ =	sdelay $0x3  }
0x33: {  	p0 =	seq.s32 s10, $0x1;
	s10 =	sld [smem:$0x3FBB];
	_ =	sdelay $0x3  }
0x34: {  	[smem:$0x3FBB] =	sst s10  }
0x35: {  	s10 =	sld [smem:$0x3FBA];
	_ =	sdelay $0x3  }
0x36: {  	p1 =	seq.s32 s10, $0x1;
	s10 =	sld [smem:$0x3FBB];
	_ =	sdelay $0x3  }
0x37: {  	[smem:$0x3FBB] =	sst s10  }
0x38: {  	s10 =	sld [smem:$0x3FBC]  }
0x39: {  	_ = 	snop;
	(pc) =	sbr.ind lr, $3  }
0x3a: {  	_ = 	snop  }
0x3b: {  	_ = 	snop  }
0x3c: {  	p2 =	seq.s32 s10, $0x1;
	s10 =	sld [smem:$0x3FBB]  }
0x3d: {  	_ =	shalt  }
0x3e: {  	_ =	shalt  }
0x3f: {  	_ =	shalt  }
0x40: {  	_ =	shalt  }
0x41: {  	_ =	shalt  }
0x42: {  	_ =	shalt  }
0x43: {  	_ =	shalt  }
0x44: {  	_ =	shalt  }
0x45: {  	_ =	shalt  }
0x46: {  	_ =	shalt  }
0x47: {  	_ =	shalt  }
0x48: {  	_ =	shalt  }
0x49: {  	_ =	shalt  }
0x4a: {  	_ =	shalt  }
0x4b: {  	_ =	shalt  }
0x4c: {  	_ =	shalt  }
0x4d: {  	_ =	shalt  }
0x4e: {  	_ =	shalt  }
0x4f: {  	_ =	shalt  }
0x50: {  	_ =	shalt  }
0x51: {  	_ =	shalt  }
0x52: {  	_ =	shalt  }
0x53: {  	_ =	shalt  }
0x54: {  	_ =	shalt  }
0x55: {  	_ =	shalt  }
0x56: {  	_ =	shalt  }
0x57: {  	_ =	shalt  }
0x58: {  	_ =	shalt  }
0x59: {  	_ =	shalt  }
0x5a: {  	_ =	shalt  }
0x5b: {  	_ =	shalt  }
0x5c: {  	_ =	shalt  }
0x5d: {  	_ =	shalt  }
0x5e: {  	_ =	shalt  }
0x5f: {  	_ =	shalt  }
0x60: {  	_ =	shalt  }
0x61: {  	_ =	shalt  }
0x62: {  	_ =	shalt  }
0x63: {  	_ =	shalt  }
0x64: {  	_ =	shalt  }
0x65: {  	_ =	shalt  }
0x66: {  	_ =	shalt  }
0x67: {  	_ =	shalt  }
0x68: {  	_ =	shalt  }
0x69: {  	_ =	shalt  }
0x6a: {  	_ =	shalt  }
0x6b: {  	_ =	shalt  }
0x6c: {  	_ =	shalt  }
0x6d: {  	_ =	shalt  }
0x6e: {  	_ =	shalt  }
0x6f: {  	_ =	shalt  }
0x70: {  	_ =	shalt  }
0x71: {  	_ =	shalt  }
0x72: {  	_ =	shalt  }
0x73: {  	_ =	shalt  }
0x74: {  	_ =	shalt  }
0x75: {  	_ =	shalt  }
0x76: {  	_ =	shalt  }
0x77: {  	_ =	shalt  }
0x78: {  	_ =	shalt  }
0x79: {  	_ =	shalt  }
0x7a: {  	_ =	shalt  }
0x7b: {  	_ =	shalt  }
0x7c: {  	_ =	shalt  }
0x7d: {  	_ =	shalt  }
0x7e: {  	_ =	shalt  }
0x7f: {  	_ =	shalt  }
0x80: {  	_ =	shalt  }
0x81: {  	_ =	shalt  }
0x82: {  	_ =	shalt  }
0x83: {  	_ =	shalt  }
0x84: {  	_ =	shalt  }
0x85: {  	_ =	shalt  }
0x86: {  	_ =	shalt  }
0x87: {  	_ =	shalt  }
.Lfunc_end0:
.L_simem_size_0:
called_computation_lowered:
.L_overlay_start_0:
0x88: {  	s2 =	sld [smem:$0x3FD9]  }
0x89: {  	s3 =	sld [smem:$0x3FFE];
	_ =	sdelay $0x1  }
0x8a: {  	s1 =	srdreg.scid  }
0x8b: {  	s0 =	sand.u32 $0x1, s1  }
0x8c: {  	s17 =	sshll.u32 s0, $0xA;
	s2 =	sadd.s32 s3, s2  }
0x8d: {  	s2 =	sadd.s32 s2, s17  }
0x8e: {  	[smem:$0x3FC7] =	sst s2  }
0x8f: {  	_ = 	snop  }
0x90: {  	s2 =	sld [smem:$0x3FD0];
	(tm) =	ssettm $0x1  }
0x91: {  	s18 =	sld [smem:$0x3FFB];
	_ =	sdelay $0x3  }
0x92: {  	_ =	strace s18  }
0x93: {  	s3 =	sld [smem:$0x3FFC];
	_ =	sdelay $0x3  }
0x94: {  	_ =	strace s3  }
0x95: {  	s3 =	sld [smem:$0x3FFD];
	_ =	sdelay $0x3  }
0x96: {  	_ =	strace s3  }
0x97: {  	_ =	strace $0x8FFFFFFF  }
0x98: {  	s19 =	sld [smem:$0x3FDB];
	_ =	sdelay $0x1  }
0x99: {  	s4 =	simm.s32 $_scs_section_size  }
0x9a: {  	s5 =	simm.s32 $_size__tile_overlayer_lowered;
	s6 =	simm.s32 $_tile_overlayer_lowered  }
0x9b: {  	s22 =	simm.s32 $0x1BFF;
	s21 =	sshll.u32 s6, $0x1;
	s3 =	sadd.s32 s4, s19  }
0x9c: {  	s7 =	simm.s32 $0x0;
	s20 =	sshll.u32 s5, $0x1;
	s5 =	sadd.s32 s21, s3  }
0x9d: {  	[timem:s7], [sflag:s22] =	dma.local [hbm:s5], s20  }
0x9e: {  	_ =	swait.ge [sflag:s22], s20  }
0x9f: {  	s4 =	ssub.s32 $0x0, s20;
	[sflag:s22] =	ssyncset.done $0x0  }
0xa0: {  	[sflag:s22] =	ssyncadd.s32 s4;
	_ =	sdelay $0x1  }
0xa1: {  	s23 =	simm.s32 $0x1B8B  }
0xa2: {  	_ =	swait.ge [sflag:s23], $0x1  }
0xa3: {  	[sflag:s23] =	ssyncset.done $0x0  }
0xa4: {  	s25 =	simm.s32 $0x1B8E;
	s24 =	sld [smem:$0x3FFE];
	[sflag:s23] =	ssyncadd.s32 $0xFFFFFFFF  }
0xa5: {  	s26 =	simm.s32 $execute0_lowered;
	[smem:$0x3FD2] =	sst s25  }
0xa6: {  	s5 =	sshll.u32 s26, $0x1;
	_ =	strace $0x80000046;
	[dreg:$0x1] =	wrdreg $0xFFFFFFFF  }
0xa7: {  	s28 =	simm.s32 $_size_execute0_lowered;
	s3 =	sadd.s32 s3, s5;
	[dreg:$0x0] =	wrdreg $0x0  }
0xa8: {  	s5 =	sshll.u32 s28, $0x1;
	[dreg:$0x2] =	wrdreg s3  }
0xa9: {  	[dreg:$0x3] =	wrdreg s5  }
0xaa: {  	[dreg:$0x4] =	wrdreg $0xC0  }
0xab: {  	_ =	task [dreg:s7], $0x5FFFF  }
0xac: {  	[dreg:$0x1] =	wrdreg $0xFFFFFFFF  }
0xad: {  	[dreg:$0x0] =	wrdreg $0x60  }
0xae: {  	[dreg:$0x2] =	wrdreg s2  }
0xaf: {  	[dreg:$0x3] =	wrdreg s24  }
0xb0: {  	[dreg:$0x4] =	wrdreg $0x9  }
0xb1: {  	_ =	task.clear_ibuf [dreg:s7], $0x5FFFF;
	_ =	strace $0x90000046  }
0xb2: {  	s29 =	simm.s32 $0x9;
	_ =	strace $0x80000048  }
0xb3: {  	_ =	swait.ge [sflag:s29], $0x1  }
0xb4: {  	[sflag:s29] =	ssyncadd.s32 $0xFFFFFFFF  }
0xb5: {  	_ =	strace $0x90000048  }
0xb6: {  	_ =	sfence  }
0xb7: {  	s30 =	sld [smem:$0x0];
	_ =	sdelay $0x2  }
0xb8: {  	s31 =	sshll.u32 s1, $0xD;
	s1 =	sshrl.u32 s1, $0x2  }
0xb9: {  	s3 =	sand.u32 $0x4000, s31;
	s1 =	sadd.s32 s1, s30  }
0xba: {  	s0 =	sor.u32 s3, s0;
	s1 =	sshll.u32 s1, $0x11  }
0xbb: {  	s0 =	sor.u32 s1, s0  }
0xbc: {  	s0 =	sadd.s32 $0x8F2B, s0  }
0xbd: {  	[sflag:s0] =	ssyncadd.remote.s32 $0x1  }
0xbe: {  	_ =	sfence.sel $0xFFFF  }
0xbf: {  	[dreg:$0x0] =	wrdreg $0xFFFFFFFF;
	(pc) =	sbr.abs _section_cstart, $3  }
0xc0: {  	[dreg:$0x1] =	wrdreg $0xFFFFFFFF  }
0xc1: {  	_ =	task.clear_ibuf [dreg:s7], $0x2FFFF;
	_ =	strace $0x9FFFFFFF  }
0xc2: {  	(tm) =	ssettm $0x7FFFFFFF  }
0xc3: {  	_ =	shalt  }
tec
execute0_lowered:
.L_overlay_start_1:
0x0: {  	(tag) =	ssettag $0x1  }
0x1: {  	s1 =	srdreg.scid;
	s0 =	stileid.u32  }
0x2: {  	s3 =	rddreg [dreg:$0x0];
	s4 =	sand.u32 $0x1, s1;
	s6 =	sshll.u32 s0, $0x1  }
0x3: {  	s5 =	rddreg [dreg:$0x1];
	s2 =	simm.s32 $0x0;
	s6 =	sor.u32 s4, s6  }
0x4: {  	s1 =	rddreg [dreg:$0x2];
	s7 =	ssub.s32 $0x2, s4;
	s6 =	smul.u32 $0x1800, s6  }
0x5: {  	[smem:$0x7FF] =	sst s2;
	s8 =	sshrl.u32 s7, $0x1  }
0x6: {  	_ =	strace $0x80000047;
	s31 =	ssub.s32 s7, s8;
	s4 =	sadd.s32 s3, s6  }
0x7: {  	s3 =	simm.s32 $0x1;
	s5 =	sadd.s32 s6, s5;
	s6 =	smax.u32 s31, $0x1  }
0x8: {  	[tilespmem:s2], [sflag:$0x1] =	stream.linear.gather [hbm4b:s4+s2], $0xC000, $0x38;
	[tilespmem:$0xC000] =	vst v63  }
0x9: {  	p0 =	sne.s32 s6, $0x1;
	_ =	swait.ge [sflag:s3], $0xC000  }
.Ltmp0:
0xa: {  	[sflag:s3] =	ssyncset.done $0x0;
	(pc) =	sbr.rel @!p0 .LBB2_2-.Ltmp0, $4  }
0xb: {  	s5 =	sadd.s32 $0x400, s5;
	[sflag:s3] =	ssyncadd.s32 $0xFFFF4000  }
0xc: {  	[hbm4b:s5+s2] =	stream.linear.scatter [tilespmem:s2], [sflag:$0x1], $0xC000, $0x38;
	[tilespmem:$0xC000] =	vst v63  }
0xd: {  	_ =	swait.ge [sflag:s3], $0xC000  }
0xe: {  	s6 =	sadd.s32 $0xFFFFFFFF, s6;
	[sflag:s3] =	ssyncset.done $0x0  }
.LBB2_1:
0xf: {  	p0 =	sne.s32 s6, $0x1;
	s6 =	sadd.s32 $0xFFFFFFFF, s6;
	[sflag:s3] =	ssyncadd.s32 $0xFFFF4000  }
0x10: {  	[tilespmem:s2], [sflag:$0x1] =	stream.linear.gather [hbm4b:s4+s2], $0xC000, $0x38;
	[tilespmem:$0xC000] =	vst v63  }
0x11: {  	_ =	swait.ge [sflag:s3], $0xC000  }
.Ltmp1:
0x12: {  	[sflag:s3] =	ssyncset.done $0x0;
	(pc) =	sbr.rel @p0 .LBB2_1-.Ltmp1, $4  }
0x13: {  	[sflag:s3] =	ssyncadd.s32 $0xFFFF4000  }
0x14: {  	[hbm4b:s5+s2] =	stream.linear.scatter [tilespmem:s2], [sflag:$0x1], $0xC000, $0x38;
	[tilespmem:$0xC000] =	vst v63  }
0x15: {  	_ =	swait.ge [sflag:s3], $0xC000  }
0x16: {  	[sflag:s3] =	ssyncset.done $0x0  }
.LBB2_2:
0x17: {  	[sflag:s3] =	ssyncadd.s32 $0xFFFF4000  }
0x18: {  	_ =	sfence.sel $0x180000  }
0x19: {  	[bflag:$0x0] =	sbarrier.arrive $0xFFFF  }
0x1a: {  	p0 =	sne.s32 s0, $0x0;
	_ =	strace $0x90000047  }
0x1b: {  	s0 =	sadd.s32 @!p0 $0x100000, s1;
	[bflag:$0x2] =	sbarrier.arrive $0xFFFF  }
0x1c: {  	[sflag:s0] =	ssyncadd.tile.s32 @!p0 $0x1;
	_ =	shalt  }
.Lfunc_end2:
_tile_overlayer_lowered:
.L_overlay_start_2:
0x1d: {  	(tag) =	ssettag $0x2  }
0x1e: {  	s0 =	rddreg [dreg:$0x0];
	s2 =	stileid.u32  }
0x1f: {  	s1 =	rddreg [dreg:$0x1];
	p0 =	sne.s32 s2, $0x0  }
0x20: {  	s3 =	rddreg [dreg:$0x2];
	[bflag:$0x3] =	sbarrier.arrive $0xFFFF;
	s2 =	simm.s32 @!p0 $0x1C01  }
0x21: {  	[timem:s3], [sflag:s2] =	dma.local @!p0 [hbm:s0], s1  }
0x22: {  	s0 =	simm.s32 @!p0 $0x1  }
0x23: {  	_ =	swait.ge @!p0 [sflag:s0], s1  }
0x24: {  	s1 =	ssub.s32 @!p0 $0x0, s1;
	[sflag:s0] =	ssyncset.done @!p0 $0x0  }
0x25: {  	[sflag:s0] =	ssyncadd.s32 @!p0 s1  }
0x26: {  	[bflag:$0x3] =	sbarrier.arrive $0xFFFF  }
0x27: {  	_ =	shalt  }

</sc_bundles>
